<compile_context>
chip_gen: v7x
topology: tpu7x:2x2x1
jax: 0.10.2.dev20260603
libtpu: 0.0.44.dev20260713+nightly
codegen_flags: <defaults>
</compile_context>

<pallas_src>
import functools

import jax
import jax.numpy as jnp
from jax import lax
from jax.experimental import pallas as pl
from jax.experimental.pallas import tpu as pltpu
from jax.experimental.pallas import tpu_sc as plsc

V = 1000000
F = 26
D = 32
B = 4096

NC = 2
NS = 16
NW = NC * NS
N = B * F
NPW = N // NW
CH = 128
NCHUNK = NPW // CH


def _sc_gather(x_resh, emb_table, lin_flat):
    mesh = plsc.VectorSubcoreMesh(
        core_axis_name="c", subcore_axis_name="s",
        num_cores=NC, num_subcores=NS)

    @functools.partial(
        pl.kernel,
        out_type=(
            jax.ShapeDtypeStruct((NW, NCHUNK, CH, D), jnp.float32),
            jax.ShapeDtypeStruct((NW, NCHUNK, CH), jnp.float32),
        ),
        mesh=mesh,
        scratch_types=[
            pltpu.VMEM((NCHUNK, CH), jnp.int32),
            pltpu.VMEM((NCHUNK, CH, D), jnp.float32),
            pltpu.VMEM((NCHUNK, CH), jnp.float32),
            pltpu.SemaphoreType.DMA,
            pltpu.SemaphoreType.DMA,
        ],
        compiler_params=pltpu.CompilerParams(use_tc_tiling_on_sc=False),
    )
    def k(x_hbm, emb_hbm, lin_hbm, out_h, out_l,
          idx_v, rows_v, lin_v, sem_e, sem_l):
        wid = lax.axis_index("s") * NC + lax.axis_index("c")
        pltpu.sync_copy(x_hbm.at[wid], idx_v)

        def emb_cpy(c):
            return pltpu.make_async_copy(
                emb_hbm.at[idx_v.at[c]], rows_v.at[c], sem_e)

        def lin_cpy(c):
            return pltpu.make_async_copy(
                lin_hbm.at[idx_v.at[c]], lin_v.at[c], sem_l)

        emb_cpy(0).start()
        lin_cpy(0).start()

        def body(c, _):
            emb_cpy(c + 1).start()
            lin_cpy(c + 1).start()
            emb_cpy(c).wait()
            lin_cpy(c).wait()
            return 0

        lax.fori_loop(0, NCHUNK - 1, body, 0)
        emb_cpy(NCHUNK - 1).wait()
        lin_cpy(NCHUNK - 1).wait()

        pltpu.sync_copy(rows_v, out_h.at[wid])
        pltpu.sync_copy(lin_v, out_l.at[wid])

    return k(x_resh, emb_table, lin_flat)


def _tc_body(h_ref, lin_ref, sel_ref, w1, b1, w2, b2, w3, b3, w4, b4,
             o_ref):
    h = h_ref[...]
    sel = sel_ref[...]
    s = jnp.dot(h, sel, preferred_element_type=jnp.float32)
    sos = jnp.dot(h * h, sel, preferred_element_type=jnp.float32)
    ix = jnp.sum(s * s - sos, axis=1, keepdims=True)
    lin = jnp.sum(lin_ref[...], axis=1, keepdims=True)
    a = jnp.maximum(
        jnp.dot(h, w1[...], preferred_element_type=jnp.float32) + b1[...], 0.0)
    a = jnp.maximum(
        jnp.dot(a, w2[...], preferred_element_type=jnp.float32) + b2[...], 0.0)
    a = jnp.maximum(
        jnp.dot(a, w3[...], preferred_element_type=jnp.float32) + b3[...], 0.0)
    m = jnp.dot(a, w4[...], preferred_element_type=jnp.float32) + b4[...]
    o_ref[...] = jax.nn.sigmoid(lin + 0.5 * ix + m)


def _tc_fused(h, lin, sel, W1, b1, W2, b2, W3, b3, W4, b4):
    bs = 512
    grid = (B // bs,)
    H = F * D
    const = lambda shape: pl.BlockSpec(shape, lambda i: (0, 0))
    return pl.pallas_call(
        _tc_body,
        grid=grid,
        in_specs=[
            pl.BlockSpec((bs, H), lambda i: (i, 0)),
            pl.BlockSpec((bs, F), lambda i: (i, 0)),
            const((H, D)),
            const((H, 300)), const((1, 300)),
            const((300, 300)), const((1, 300)),
            const((300, 300)), const((1, 300)),
            const((300, 1)), const((1, 1)),
        ],
        out_specs=pl.BlockSpec((bs, 1), lambda i: (i, 0)),
        out_shape=jax.ShapeDtypeStruct((B, 1), jnp.float32),
    )(h, lin, sel, W1, b1, W2, b2, W3, b3, W4, b4)


def kernel(x, linear_table, emb_table, W1, b1, W2, b2, W3, b3, W4, b4):
    x_resh = x.astype(jnp.int32).reshape(NW, NCHUNK, CH)
    rows, lin_rows = _sc_gather(x_resh, emb_table, linear_table.reshape(V))
    h = rows.reshape(B, F * D)
    lin = lin_rows.reshape(B, F)
    sel = jnp.tile(jnp.eye(D, dtype=jnp.float32), (F, 1))
    return _tc_fused(h, lin, sel, W1,
                     b1.reshape(1, 300), W2, b2.reshape(1, 300),
                     W3, b3.reshape(1, 300), W4, b4.reshape(1, 1))

# --- scband reference (transcript-rebuilt; emitter-appended) ---
"""Pipeline reference for scband-deep-fm-21603685498965 (READ-ONLY COPY).

The authoritative reference and input builder live on the scoring server;
editing this copy changes nothing except your own understanding.
"""

import jax, jax.numpy as jnp
import numpy as np

V = 1000000
F = 26
D = 32
B = 4096


def setup_inputs(seed: int = 0) -> dict:
    key = jax.random.key(seed)
    ks = jax.random.split(key, 12)
    x = jax.random.randint(ks[0], (B, F), 0, V, dtype=jnp.int64) if jax.config.jax_enable_x64 else jax.random.randint(ks[0], (B, F), 0, V, dtype=jnp.int32)
    linear_table = jax.random.normal(ks[1], (V, 1), dtype=jnp.float32) * 0.01
    # xavier uniform for feature embedding
    limit = float(np.sqrt(6.0 / (V + D)))
    emb_table = jax.random.uniform(ks[2], (V, D), dtype=jnp.float32, minval=-limit, maxval=limit)
    def lin_init(k, fan_in, fan_out):
        y = 1.0 / np.sqrt(fan_in)
        W = jax.random.uniform(k, (fan_in, fan_out), dtype=jnp.float32, minval=-y, maxval=y)
        b = jnp.zeros((fan_out,), dtype=jnp.float32)
        return W, b
    W1, b1 = lin_init(ks[3], F * D, 300)
    W2, b2 = lin_init(ks[4], 300, 300)
    W3, b3 = lin_init(ks[5], 300, 300)
    W4, b4 = lin_init(ks[6], 300, 1)
    return {"x": x, "linear_table": linear_table, "emb_table": emb_table,
            "W1": W1, "b1": b1, "W2": W2, "b2": b2, "W3": W3, "b3": b3, "W4": W4, "b4": b4}


def reference(x, linear_table, emb_table, W1, b1, W2, b2, W3, b3, W4, b4):
    # embedding lookups
    second_x = jnp.take(emb_table, x, axis=0)          # [B, F, D]
    lin_x = jnp.take(linear_table, x, axis=0)          # [B, F, 1]
    square_of_sum = jnp.sum(second_x, axis=1) ** 2     # [B, D]
    sum_of_square = jnp.sum(second_x ** 2, axis=1)     # [B, D]
    ix = jnp.sum(square_of_sum - sum_of_square, axis=1, keepdims=True)  # [B, 1]
    h = second_x.reshape(-1, F * D)
    h = jax.nn.relu(h @ W1 + b1)
    h = jax.nn.relu(h @ W2 + b2)
    h = jax.nn.relu(h @ W3 + b3)
    mlp_out = h @ W4 + b4                              # [B, 1]
    out = jnp.sum(lin_x, axis=1) + ix * 0.5 + mlp_out
    return jax.nn.sigmoid(out)

if __name__ == "__main__":
    import jax
    _d = setup_inputs()
    print(jax.jit(kernel)(*tuple(_d.values())))

</pallas_src>

<mosaic_0001>
#map = affine_map<(d0, d1) -> (0, 0, 0)>
#map1 = affine_map<(d0, d1) -> (0, 0)>
#map2 = affine_map<(d0, d1) -> (0)>
#map3 = affine_map<(d0, d1) -> (0, 0, 0, 0)>
module attributes {stable_mosaic.version = 14 : i64} {
  func.func @k(%arg0: i32, %arg1: i32, %arg2: memref<32x26x128xi32, #tpu.memory_space<hbm>>, %arg3: memref<1000000x32xf32, #tpu.memory_space<hbm>>, %arg4: memref<1000000xf32, #tpu.memory_space<hbm>>, %arg5: memref<32x26x128x32xf32, #tpu.memory_space<hbm>>, %arg6: memref<32x26x128xf32, #tpu.memory_space<hbm>>, %arg7: memref<26x128xi32, #tpu.memory_space<vmem>>, %arg8: memref<26x128x32xf32, #tpu.memory_space<vmem>>, %arg9: memref<26x128xf32, #tpu.memory_space<vmem>>, %arg10: memref<!tpu.dma_semaphore, #tpu.memory_space<semaphore_mem>>, %arg11: memref<!tpu.dma_semaphore, #tpu.memory_space<semaphore_mem>>) attributes {dimension_semantics = [#tpu.dimension_semantics<core_parallel>, #tpu.dimension_semantics<subcore_parallel>], iteration_bounds = array<i64: 2, 16>, scalar_prefetch = 0 : i64, scratch_operands = 5 : i64, tpu.core_type = #tpu.core_type<sc_vector_subcore>, window_params = [{transform_indices = #map}, {transform_indices = #map1}, {transform_indices = #map2}, {transform_indices = #map3}, {transform_indices = #map}]} {
    %mul3A = arith.constant 2 : i32
    %mul3A_0 = arith.muli %arg1, %mul3A : i32
    %add3A = arith.addi %mul3A_0, %arg0 : i32
    "tpu.region"() ({
      %run_scoped3A = tpu.sem_alloc : memref<!tpu.dma_semaphore, #tpu.memory_space<semaphore_mem>>
      %dma_start3A_49 = arith.constant 0 : i32
      %dma_start3A_50 = arith.constant 0 : i32
      %dma_start3A_51 = tpu.memref_slice %arg2[%add3A, %dma_start3A_49, %dma_start3A_50] : memref<32x26x128xi32, #tpu.memory_space<hbm>> -> memref<1x26x128xi32, #tpu.memory_space<hbm>>
      %dma_start3A_52 = tpu.memref_squeeze %dma_start3A_51 : memref<1x26x128xi32, #tpu.memory_space<hbm>> -> memref<26x128xi32, #tpu.memory_space<hbm>>
      %dma_start3A_53 = arith.constant 0 : i32
      %dma_start3A_54 = arith.constant 0 : i32
      %dma_start3A_55 = tpu.memref_slice %arg2[%add3A, %dma_start3A_53, %dma_start3A_54] : memref<32x26x128xi32, #tpu.memory_space<hbm>> -> memref<1x26x128xi32, #tpu.memory_space<hbm>>
      %dma_start3A_56 = tpu.memref_squeeze %dma_start3A_55 : memref<1x26x128xi32, #tpu.memory_space<hbm>> -> memref<26x128xi32, #tpu.memory_space<hbm>>
      tpu.enqueue_dma source(%dma_start3A_56 : memref<26x128xi32, #tpu.memory_space<hbm>>) target(%arg7 : memref<26x128xi32, #tpu.memory_space<vmem>>) target_semaphore(%run_scoped3A : memref<!tpu.dma_semaphore, #tpu.memory_space<semaphore_mem>>)
      %dma_wait3A_57 = arith.constant 0 : i32
      %dma_wait3A_58 = arith.constant 0 : i32
      %dma_wait3A_59 = tpu.memref_slice %arg2[%add3A, %dma_wait3A_57, %dma_wait3A_58] : memref<32x26x128xi32, #tpu.memory_space<hbm>> -> memref<1x26x128xi32, #tpu.memory_space<hbm>>
      %dma_wait3A_60 = tpu.memref_squeeze %dma_wait3A_59 : memref<1x26x128xi32, #tpu.memory_space<hbm>> -> memref<26x128xi32, #tpu.memory_space<hbm>>
      %dma_wait3A_61 = arith.constant 0 : i32
      %dma_wait3A_62 = arith.constant 0 : i32
      %dma_wait3A_63 = tpu.memref_slice %arg2[%add3A, %dma_wait3A_61, %dma_wait3A_62] : memref<32x26x128xi32, #tpu.memory_space<hbm>> -> memref<1x26x128xi32, #tpu.memory_space<hbm>>
      %dma_wait3A_64 = tpu.memref_squeeze %dma_wait3A_63 : memref<1x26x128xi32, #tpu.memory_space<hbm>> -> memref<26x128xi32, #tpu.memory_space<hbm>>
      tpu.wait_dma2 semaphore(%run_scoped3A : memref<!tpu.dma_semaphore, #tpu.memory_space<semaphore_mem>>) src(%dma_wait3A_64 : memref<26x128xi32, #tpu.memory_space<hbm>>) dst(%arg7 : memref<26x128xi32, #tpu.memory_space<vmem>>)
      tpu.yield
    }) : () -> ()
    %dma_start3A = arith.constant 0 : i32
    %dma_start3A_1 = arith.constant 0 : i32
    %dma_start3A_2 = arith.constant 0 : i32
    %dma_start3A_3 = arith.constant 0 : i32
    %dma_start3A_4 = tpu.memref_slice %arg8[%dma_start3A_1, %dma_start3A_2, %dma_start3A_3] : memref<26x128x32xf32, #tpu.memory_space<vmem>> -> memref<1x128x32xf32, #tpu.memory_space<vmem>>
    %dma_start3A_5 = tpu.memref_squeeze %dma_start3A_4 : memref<1x128x32xf32, #tpu.memory_space<vmem>> -> memref<128x32xf32, #tpu.memory_space<vmem>>
    %dma_start3A_6 = arith.constant 0 : i32
    %dma_start3A_7 = tpu.memref_slice %arg7[%dma_start3A, %dma_start3A_6] : memref<26x128xi32, #tpu.memory_space<vmem>> -> memref<1x128xi32, #tpu.memory_space<vmem>>
    %dma_start3A_8 = tpu.memref_squeeze %dma_start3A_7 : memref<1x128xi32, #tpu.memory_space<vmem>> -> memref<128xi32, #tpu.memory_space<vmem>>
    %dma_start3A_9 = arith.constant 0 : i32
    %dma_start3A_10 = arith.constant 0 : i32
    %dma_start3A_11 = tpu.memref_slice %arg3[%dma_start3A_9, %dma_start3A_10] : memref<1000000x32xf32, #tpu.memory_space<hbm>> -> memref<1000000x32xf32, #tpu.memory_space<hbm>>
    tpu.enqueue_indirect_dma source(%dma_start3A_11 : memref<1000000x32xf32, #tpu.memory_space<hbm>>) target(%dma_start3A_5 : memref<128x32xf32, #tpu.memory_space<vmem>>) offsets(%dma_start3A_8 : memref<128xi32, #tpu.memory_space<vmem>>) semaphore(%arg10 : memref<!tpu.dma_semaphore, #tpu.memory_space<semaphore_mem>>)
    %dma_start3A_12 = arith.constant 0 : i32
    %dma_start3A_13 = arith.constant 0 : i32
    %dma_start3A_14 = arith.constant 0 : i32
    %dma_start3A_15 = tpu.memref_slice %arg9[%dma_start3A_13, %dma_start3A_14] : memref<26x128xf32, #tpu.memory_space<vmem>> -> memref<1x128xf32, #tpu.memory_space<vmem>>
    %dma_start3A_16 = tpu.memref_squeeze %dma_start3A_15 : memref<1x128xf32, #tpu.memory_space<vmem>> -> memref<128xf32, #tpu.memory_space<vmem>>
    %dma_start3A_17 = arith.constant 0 : i32
    %dma_start3A_18 = tpu.memref_slice %arg7[%dma_start3A_12, %dma_start3A_17] : memref<26x128xi32, #tpu.memory_space<vmem>> -> memref<1x128xi32, #tpu.memory_space<vmem>>
    %dma_start3A_19 = tpu.memref_squeeze %dma_start3A_18 : memref<1x128xi32, #tpu.memory_space<vmem>> -> memref<128xi32, #tpu.memory_space<vmem>>
    %dma_start3A_20 = arith.constant 0 : i32
    %dma_start3A_21 = tpu.memref_slice %arg4[%dma_start3A_20] : memref<1000000xf32, #tpu.memory_space<hbm>> -> memref<1000000xf32, #tpu.memory_space<hbm>>
    tpu.enqueue_indirect_dma source(%dma_start3A_21 : memref<1000000xf32, #tpu.memory_space<hbm>>) target(%dma_start3A_16 : memref<128xf32, #tpu.memory_space<vmem>>) offsets(%dma_start3A_19 : memref<128xi32, #tpu.memory_space<vmem>>) semaphore(%arg11 : memref<!tpu.dma_semaphore, #tpu.memory_space<semaphore_mem>>)
    %scan3A = arith.constant 0 : i32
    %scan3A_22 = arith.constant 0 : i32
    %scan3A_23 = arith.constant 25 : i32
    %scan3A_24 = arith.addi %scan3A_22, %scan3A_23 : i32
    %scan3A_25 = arith.constant 1 : i32
    %scan3A_26 = scf.for %scan3A_49 = %scan3A_22 to %scan3A_24 step %scan3A_25 iter_args(%scan3A_50 = %scan3A) -> (i32)  : i32 {
      %add3A_51 = arith.constant 1 : i32
      %add3A_52 = arith.addi %scan3A_49, %add3A_51 : i32
      %dma_start3A_53 = arith.constant 0 : i32
      %dma_start3A_54 = arith.constant 0 : i32
      %dma_start3A_55 = tpu.memref_slice %arg8[%add3A_52, %dma_start3A_53, %dma_start3A_54] : memref<26x128x32xf32, #tpu.memory_space<vmem>> -> memref<1x128x32xf32, #tpu.memory_space<vmem>>
      %dma_start3A_56 = tpu.memref_squeeze %dma_start3A_55 : memref<1x128x32xf32, #tpu.memory_space<vmem>> -> memref<128x32xf32, #tpu.memory_space<vmem>>
      %dma_start3A_57 = arith.constant 0 : i32
      %dma_start3A_58 = tpu.memref_slice %arg7[%add3A_52, %dma_start3A_57] : memref<26x128xi32, #tpu.memory_space<vmem>> -> memref<1x128xi32, #tpu.memory_space<vmem>>
      %dma_start3A_59 = tpu.memref_squeeze %dma_start3A_58 : memref<1x128xi32, #tpu.memory_space<vmem>> -> memref<128xi32, #tpu.memory_space<vmem>>
      %dma_start3A_60 = arith.constant 0 : i32
      %dma_start3A_61 = arith.constant 0 : i32
      %dma_start3A_62 = tpu.memref_slice %arg3[%dma_start3A_60, %dma_start3A_61] : memref<1000000x32xf32, #tpu.memory_space<hbm>> -> memref<1000000x32xf32, #tpu.memory_space<hbm>>
      tpu.enqueue_indirect_dma source(%dma_start3A_62 : memref<1000000x32xf32, #tpu.memory_space<hbm>>) target(%dma_start3A_56 : memref<128x32xf32, #tpu.memory_space<vmem>>) offsets(%dma_start3A_59 : memref<128xi32, #tpu.memory_space<vmem>>) semaphore(%arg10 : memref<!tpu.dma_semaphore, #tpu.memory_space<semaphore_mem>>)
      %add3A_63 = arith.constant 1 : i32
      %add3A_64 = arith.addi %scan3A_49, %add3A_63 : i32
      %dma_start3A_65 = arith.constant 0 : i32
      %dma_start3A_66 = tpu.memref_slice %arg9[%add3A_64, %dma_start3A_65] : memref<26x128xf32, #tpu.memory_space<vmem>> -> memref<1x128xf32, #tpu.memory_space<vmem>>
      %dma_start3A_67 = tpu.memref_squeeze %dma_start3A_66 : memref<1x128xf32, #tpu.memory_space<vmem>> -> memref<128xf32, #tpu.memory_space<vmem>>
      %dma_start3A_68 = arith.constant 0 : i32
      %dma_start3A_69 = tpu.memref_slice %arg7[%add3A_64, %dma_start3A_68] : memref<26x128xi32, #tpu.memory_space<vmem>> -> memref<1x128xi32, #tpu.memory_space<vmem>>
      %dma_start3A_70 = tpu.memref_squeeze %dma_start3A_69 : memref<1x128xi32, #tpu.memory_space<vmem>> -> memref<128xi32, #tpu.memory_space<vmem>>
      %dma_start3A_71 = arith.constant 0 : i32
      %dma_start3A_72 = tpu.memref_slice %arg4[%dma_start3A_71] : memref<1000000xf32, #tpu.memory_space<hbm>> -> memref<1000000xf32, #tpu.memory_space<hbm>>
      tpu.enqueue_indirect_dma source(%dma_start3A_72 : memref<1000000xf32, #tpu.memory_space<hbm>>) target(%dma_start3A_67 : memref<128xf32, #tpu.memory_space<vmem>>) offsets(%dma_start3A_70 : memref<128xi32, #tpu.memory_space<vmem>>) semaphore(%arg11 : memref<!tpu.dma_semaphore, #tpu.memory_space<semaphore_mem>>)
      %dma_wait3A_73 = arith.constant 0 : i32
      %dma_wait3A_74 = arith.constant 0 : i32
      %dma_wait3A_75 = tpu.memref_slice %arg8[%scan3A_49, %dma_wait3A_73, %dma_wait3A_74] : memref<26x128x32xf32, #tpu.memory_space<vmem>> -> memref<1x128x32xf32, #tpu.memory_space<vmem>>
      %dma_wait3A_76 = tpu.memref_squeeze %dma_wait3A_75 : memref<1x128x32xf32, #tpu.memory_space<vmem>> -> memref<128x32xf32, #tpu.memory_space<vmem>>
      %dma_wait3A_77 = arith.constant 0 : i32
      %dma_wait3A_78 = tpu.memref_slice %arg7[%scan3A_49, %dma_wait3A_77] : memref<26x128xi32, #tpu.memory_space<vmem>> -> memref<1x128xi32, #tpu.memory_space<vmem>>
      %dma_wait3A_79 = tpu.memref_squeeze %dma_wait3A_78 : memref<1x128xi32, #tpu.memory_space<vmem>> -> memref<128xi32, #tpu.memory_space<vmem>>
      %dma_wait3A_80 = arith.constant 0 : i32
      %dma_wait3A_81 = arith.constant 0 : i32
      %dma_wait3A_82 = tpu.memref_slice %arg3[%dma_wait3A_80, %dma_wait3A_81] : memref<1000000x32xf32, #tpu.memory_space<hbm>> -> memref<1000000x32xf32, #tpu.memory_space<hbm>>
      tpu.wait_indirect_dma semaphore(%arg10 : memref<!tpu.dma_semaphore, #tpu.memory_space<semaphore_mem>>) src(%dma_wait3A_82 : memref<1000000x32xf32, #tpu.memory_space<hbm>>) dst(%dma_wait3A_76 : memref<128x32xf32, #tpu.memory_space<vmem>>)
      %dma_wait3A_83 = arith.constant 0 : i32
      %dma_wait3A_84 = tpu.memref_slice %arg9[%scan3A_49, %dma_wait3A_83] : memref<26x128xf32, #tpu.memory_space<vmem>> -> memref<1x128xf32, #tpu.memory_space<vmem>>
      %dma_wait3A_85 = tpu.memref_squeeze %dma_wait3A_84 : memref<1x128xf32, #tpu.memory_space<vmem>> -> memref<128xf32, #tpu.memory_space<vmem>>
      %dma_wait3A_86 = arith.constant 0 : i32
      %dma_wait3A_87 = tpu.memref_slice %arg7[%scan3A_49, %dma_wait3A_86] : memref<26x128xi32, #tpu.memory_space<vmem>> -> memref<1x128xi32, #tpu.memory_space<vmem>>
      %dma_wait3A_88 = tpu.memref_squeeze %dma_wait3A_87 : memref<1x128xi32, #tpu.memory_space<vmem>> -> memref<128xi32, #tpu.memory_space<vmem>>
      %dma_wait3A_89 = arith.constant 0 : i32
      %dma_wait3A_90 = tpu.memref_slice %arg4[%dma_wait3A_89] : memref<1000000xf32, #tpu.memory_space<hbm>> -> memref<1000000xf32, #tpu.memory_space<hbm>>
      tpu.wait_indirect_dma semaphore(%arg11 : memref<!tpu.dma_semaphore, #tpu.memory_space<semaphore_mem>>) src(%dma_wait3A_90 : memref<1000000xf32, #tpu.memory_space<hbm>>) dst(%dma_wait3A_85 : memref<128xf32, #tpu.memory_space<vmem>>)
      %scan3A_91 = arith.constant 0 : i32
      scf.yield %scan3A_91 : i32
    }
    %scan3A_27 = arith.constant 25 : i32
    %dma_wait3A = arith.constant 25 : i32
    %dma_wait3A_28 = arith.constant 25 : i32
    %dma_wait3A_29 = arith.constant 0 : i32
    %dma_wait3A_30 = arith.constant 0 : i32
    %dma_wait3A_31 = tpu.memref_slice %arg8[%dma_wait3A_28, %dma_wait3A_29, %dma_wait3A_30] : memref<26x128x32xf32, #tpu.memory_space<vmem>> -> memref<1x128x32xf32, #tpu.memory_space<vmem>>
    %dma_wait3A_32 = tpu.memref_squeeze %dma_wait3A_31 : memref<1x128x32xf32, #tpu.memory_space<vmem>> -> memref<128x32xf32, #tpu.memory_space<vmem>>
    %dma_wait3A_33 = arith.constant 0 : i32
    %dma_wait3A_34 = tpu.memref_slice %arg7[%dma_wait3A, %dma_wait3A_33] : memref<26x128xi32, #tpu.memory_space<vmem>> -> memref<1x128xi32, #tpu.memory_space<vmem>>
    %dma_wait3A_35 = tpu.memref_squeeze %dma_wait3A_34 : memref<1x128xi32, #tpu.memory_space<vmem>> -> memref<128xi32, #tpu.memory_space<vmem>>
    %dma_wait3A_36 = arith.constant 0 : i32
    %dma_wait3A_37 = arith.constant 0 : i32
    %dma_wait3A_38 = tpu.memref_slice %arg3[%dma_wait3A_36, %dma_wait3A_37] : memref<1000000x32xf32, #tpu.memory_space<hbm>> -> memref<1000000x32xf32, #tpu.memory_space<hbm>>
    tpu.wait_indirect_dma semaphore(%arg10 : memref<!tpu.dma_semaphore, #tpu.memory_space<semaphore_mem>>) src(%dma_wait3A_38 : memref<1000000x32xf32, #tpu.memory_space<hbm>>) dst(%dma_wait3A_32 : memref<128x32xf32, #tpu.memory_space<vmem>>)
    %dma_wait3A_39 = arith.constant 25 : i32
    %dma_wait3A_40 = arith.constant 25 : i32
    %dma_wait3A_41 = arith.constant 0 : i32
    %dma_wait3A_42 = tpu.memref_slice %arg9[%dma_wait3A_40, %dma_wait3A_41] : memref<26x128xf32, #tpu.memory_space<vmem>> -> memref<1x128xf32, #tpu.memory_space<vmem>>
    %dma_wait3A_43 = tpu.memref_squeeze %dma_wait3A_42 : memref<1x128xf32, #tpu.memory_space<vmem>> -> memref<128xf32, #tpu.memory_space<vmem>>
    %dma_wait3A_44 = arith.constant 0 : i32
    %dma_wait3A_45 = tpu.memref_slice %arg7[%dma_wait3A_39, %dma_wait3A_44] : memref<26x128xi32, #tpu.memory_space<vmem>> -> memref<1x128xi32, #tpu.memory_space<vmem>>
    %dma_wait3A_46 = tpu.memref_squeeze %dma_wait3A_45 : memref<1x128xi32, #tpu.memory_space<vmem>> -> memref<128xi32, #tpu.memory_space<vmem>>
    %dma_wait3A_47 = arith.constant 0 : i32
    %dma_wait3A_48 = tpu.memref_slice %arg4[%dma_wait3A_47] : memref<1000000xf32, #tpu.memory_space<hbm>> -> memref<1000000xf32, #tpu.memory_space<hbm>>
    tpu.wait_indirect_dma semaphore(%arg11 : memref<!tpu.dma_semaphore, #tpu.memory_space<semaphore_mem>>) src(%dma_wait3A_48 : memref<1000000xf32, #tpu.memory_space<hbm>>) dst(%dma_wait3A_43 : memref<128xf32, #tpu.memory_space<vmem>>)
    "tpu.region"() ({
      %run_scoped3A = tpu.sem_alloc : memref<!tpu.dma_semaphore, #tpu.memory_space<semaphore_mem>>
      %dma_start3A_49 = arith.constant 0 : i32
      %dma_start3A_50 = arith.constant 0 : i32
      %dma_start3A_51 = arith.constant 0 : i32
      %dma_start3A_52 = tpu.memref_slice %arg5[%add3A, %dma_start3A_49, %dma_start3A_50, %dma_start3A_51] : memref<32x26x128x32xf32, #tpu.memory_space<hbm>> -> memref<1x26x128x32xf32, #tpu.memory_space<hbm>>
      %dma_start3A_53 = tpu.memref_squeeze %dma_start3A_52 : memref<1x26x128x32xf32, #tpu.memory_space<hbm>> -> memref<26x128x32xf32, #tpu.memory_space<hbm>>
      %dma_start3A_54 = arith.constant 0 : i32
      %dma_start3A_55 = arith.constant 0 : i32
      %dma_start3A_56 = arith.constant 0 : i32
      %dma_start3A_57 = tpu.memref_slice %arg5[%add3A, %dma_start3A_54, %dma_start3A_55, %dma_start3A_56] : memref<32x26x128x32xf32, #tpu.memory_space<hbm>> -> memref<1x26x128x32xf32, #tpu.memory_space<hbm>>
      %dma_start3A_58 = tpu.memref_squeeze %dma_start3A_57 : memref<1x26x128x32xf32, #tpu.memory_space<hbm>> -> memref<26x128x32xf32, #tpu.memory_space<hbm>>
      tpu.enqueue_dma source(%arg8 : memref<26x128x32xf32, #tpu.memory_space<vmem>>) target(%dma_start3A_58 : memref<26x128x32xf32, #tpu.memory_space<hbm>>) target_semaphore(%run_scoped3A : memref<!tpu.dma_semaphore, #tpu.memory_space<semaphore_mem>>)
      %dma_wait3A_59 = arith.constant 0 : i32
      %dma_wait3A_60 = arith.constant 0 : i32
      %dma_wait3A_61 = arith.constant 0 : i32
      %dma_wait3A_62 = tpu.memref_slice %arg5[%add3A, %dma_wait3A_59, %dma_wait3A_60, %dma_wait3A_61] : memref<32x26x128x32xf32, #tpu.memory_space<hbm>> -> memref<1x26x128x32xf32, #tpu.memory_space<hbm>>
      %dma_wait3A_63 = tpu.memref_squeeze %dma_wait3A_62 : memref<1x26x128x32xf32, #tpu.memory_space<hbm>> -> memref<26x128x32xf32, #tpu.memory_space<hbm>>
      %dma_wait3A_64 = arith.constant 0 : i32
      %dma_wait3A_65 = arith.constant 0 : i32
      %dma_wait3A_66 = arith.constant 0 : i32
      %dma_wait3A_67 = tpu.memref_slice %arg5[%add3A, %dma_wait3A_64, %dma_wait3A_65, %dma_wait3A_66] : memref<32x26x128x32xf32, #tpu.memory_space<hbm>> -> memref<1x26x128x32xf32, #tpu.memory_space<hbm>>
      %dma_wait3A_68 = tpu.memref_squeeze %dma_wait3A_67 : memref<1x26x128x32xf32, #tpu.memory_space<hbm>> -> memref<26x128x32xf32, #tpu.memory_space<hbm>>
      tpu.wait_dma2 semaphore(%run_scoped3A : memref<!tpu.dma_semaphore, #tpu.memory_space<semaphore_mem>>) src(%arg8 : memref<26x128x32xf32, #tpu.memory_space<vmem>>) dst(%dma_wait3A_68 : memref<26x128x32xf32, #tpu.memory_space<hbm>>)
      tpu.yield
    }) : () -> ()
    "tpu.region"() ({
      %run_scoped3A = tpu.sem_alloc : memref<!tpu.dma_semaphore, #tpu.memory_space<semaphore_mem>>
      %dma_start3A_49 = arith.constant 0 : i32
      %dma_start3A_50 = arith.constant 0 : i32
      %dma_start3A_51 = tpu.memref_slice %arg6[%add3A, %dma_start3A_49, %dma_start3A_50] : memref<32x26x128xf32, #tpu.memory_space<hbm>> -> memref<1x26x128xf32, #tpu.memory_space<hbm>>
      %dma_start3A_52 = tpu.memref_squeeze %dma_start3A_51 : memref<1x26x128xf32, #tpu.memory_space<hbm>> -> memref<26x128xf32, #tpu.memory_space<hbm>>
      %dma_start3A_53 = arith.constant 0 : i32
      %dma_start3A_54 = arith.constant 0 : i32
      %dma_start3A_55 = tpu.memref_slice %arg6[%add3A, %dma_start3A_53, %dma_start3A_54] : memref<32x26x128xf32, #tpu.memory_space<hbm>> -> memref<1x26x128xf32, #tpu.memory_space<hbm>>
      %dma_start3A_56 = tpu.memref_squeeze %dma_start3A_55 : memref<1x26x128xf32, #tpu.memory_space<hbm>> -> memref<26x128xf32, #tpu.memory_space<hbm>>
      tpu.enqueue_dma source(%arg9 : memref<26x128xf32, #tpu.memory_space<vmem>>) target(%dma_start3A_56 : memref<26x128xf32, #tpu.memory_space<hbm>>) target_semaphore(%run_scoped3A : memref<!tpu.dma_semaphore, #tpu.memory_space<semaphore_mem>>)
      %dma_wait3A_57 = arith.constant 0 : i32
      %dma_wait3A_58 = arith.constant 0 : i32
      %dma_wait3A_59 = tpu.memref_slice %arg6[%add3A, %dma_wait3A_57, %dma_wait3A_58] : memref<32x26x128xf32, #tpu.memory_space<hbm>> -> memref<1x26x128xf32, #tpu.memory_space<hbm>>
      %dma_wait3A_60 = tpu.memref_squeeze %dma_wait3A_59 : memref<1x26x128xf32, #tpu.memory_space<hbm>> -> memref<26x128xf32, #tpu.memory_space<hbm>>
      %dma_wait3A_61 = arith.constant 0 : i32
      %dma_wait3A_62 = arith.constant 0 : i32
      %dma_wait3A_63 = tpu.memref_slice %arg6[%add3A, %dma_wait3A_61, %dma_wait3A_62] : memref<32x26x128xf32, #tpu.memory_space<hbm>> -> memref<1x26x128xf32, #tpu.memory_space<hbm>>
      %dma_wait3A_64 = tpu.memref_squeeze %dma_wait3A_63 : memref<1x26x128xf32, #tpu.memory_space<hbm>> -> memref<26x128xf32, #tpu.memory_space<hbm>>
      tpu.wait_dma2 semaphore(%run_scoped3A : memref<!tpu.dma_semaphore, #tpu.memory_space<semaphore_mem>>) src(%arg9 : memref<26x128xf32, #tpu.memory_space<vmem>>) dst(%dma_wait3A_64 : memref<26x128xf32, #tpu.memory_space<hbm>>)
      tpu.yield
    }) : () -> ()
    return
  }
}

module attributes {stable_mosaic.version = 14 : i64} {
  func.func @_tc_body(%arg0: i32, %arg1: memref<512x832xf32, #tpu.memory_space<vmem>>, %arg2: memref<512x26xf32, #tpu.memory_space<vmem>>, %arg3: memref<832x32xf32, #tpu.memory_space<vmem>>, %arg4: memref<832x300xf32, #tpu.memory_space<vmem>>, %arg5: memref<1x300xf32, #tpu.memory_space<vmem>>, %arg6: memref<300x300xf32, #tpu.memory_space<vmem>>, %arg7: memref<1x300xf32, #tpu.memory_space<vmem>>, %arg8: memref<300x300xf32, #tpu.memory_space<vmem>>, %arg9: memref<1x300xf32, #tpu.memory_space<vmem>>, %arg10: memref<300x1xf32, #tpu.memory_space<vmem>>, %arg11: memref<1x1xf32, #tpu.memory_space<vmem>>, %arg12: memref<512x1xf32, #tpu.memory_space<vmem>>) attributes {dimension_semantics = [#tpu.dimension_semantics<arbitrary>], iteration_bounds = array<i64: 8>, scalar_prefetch = 0 : i64, scratch_operands = 0 : i64, tpu.core_type = #tpu.core_type<tc>, window_params = [{transform_indices = @transform_0, window_bounds = array<i64: 512, 832>}, {transform_indices = @transform_1, window_bounds = array<i64: 512, 26>}, {pipeline_mode = #tpu.pipeline_mode<synchronous>, transform_indices = @transform_2, window_bounds = array<i64: 832, 32>}, {pipeline_mode = #tpu.pipeline_mode<synchronous>, transform_indices = @transform_3, window_bounds = array<i64: 832, 300>}, {pipeline_mode = #tpu.pipeline_mode<synchronous>, transform_indices = @transform_4, window_bounds = array<i64: 1, 300>}, {pipeline_mode = #tpu.pipeline_mode<synchronous>, transform_indices = @transform_5, window_bounds = array<i64: 300, 300>}, {pipeline_mode = #tpu.pipeline_mode<synchronous>, transform_indices = @transform_6, window_bounds = array<i64: 1, 300>}, {pipeline_mode = #tpu.pipeline_mode<synchronous>, transform_indices = @transform_7, window_bounds = array<i64: 300, 300>}, {pipeline_mode = #tpu.pipeline_mode<synchronous>, transform_indices = @transform_8, window_bounds = array<i64: 1, 300>}, {pipeline_mode = #tpu.pipeline_mode<synchronous>, transform_indices = @transform_9, window_bounds = array<i64: 300, 1>}, {pipeline_mode = #tpu.pipeline_mode<synchronous>, transform_indices = @transform_10, window_bounds = array<i64: 1, 1>}, {transform_indices = @transform_11, window_bounds = array<i64: 512, 1>}]} {
    %get3A = arith.constant 0 : index
    %get3A_0 = arith.constant 0 : index
    %get3A_1 = vector.load %arg1[%get3A, %get3A_0] : memref<512x832xf32, #tpu.memory_space<vmem>>, vector<512x832xf32>
    %get3A_2 = arith.constant 0 : index
    %get3A_3 = arith.constant 0 : index
    %get3A_4 = vector.load %arg3[%get3A_2, %get3A_3] : memref<832x32xf32, #tpu.memory_space<vmem>>, vector<832x32xf32>
    %dot_general3A = arith.constant dense<0.000000e+00> : vector<512x32xf32>
    %dot_general3A_5 = tpu.matmul %get3A_1, %get3A_4, %dot_general3A {dimension_numbers = #tpu.dot_dimension_numbers<[1], [0], [0], [1], [0, 0, 1, 1], [], []>, transpose_lhs_hint = false} : vector<512x832xf32>, vector<832x32xf32>, vector<512x32xf32> -> vector<512x32xf32>
    %mul3A = arith.mulf %get3A_1, %get3A_1 : vector<512x832xf32>
    %dot_general3A_6 = arith.constant dense<0.000000e+00> : vector<512x32xf32>
    %dot_general3A_7 = tpu.matmul %mul3A, %get3A_4, %dot_general3A_6 {dimension_numbers = #tpu.dot_dimension_numbers<[1], [0], [0], [1], [0, 0, 1, 1], [], []>, transpose_lhs_hint = false} : vector<512x832xf32>, vector<832x32xf32>, vector<512x32xf32> -> vector<512x32xf32>
    %mul3A_8 = arith.mulf %dot_general3A_5, %dot_general3A_5 : vector<512x32xf32>
    %sub3A = arith.subf %mul3A_8, %dot_general3A_7 : vector<512x32xf32>
    %reduce_sum3A = arith.constant dense<0.000000e+00> : vector<512xf32>
    %reduce_sum3A_9 = vector.multi_reduction <add>, %sub3A, %reduce_sum3A [1] : vector<512x32xf32> to vector<512xf32>
    %broadcast_in_dim3A = vector.shape_cast %reduce_sum3A_9 : vector<512xf32> to vector<512x1xf32>
    %get3A_10 = arith.constant 0 : index
    %get3A_11 = arith.constant 0 : index
    %get3A_12 = vector.load %arg2[%get3A_10, %get3A_11] : memref<512x26xf32, #tpu.memory_space<vmem>>, vector<512x26xf32>
    %reduce_sum3A_13 = arith.constant dense<0.000000e+00> : vector<512xf32>
    %reduce_sum3A_14 = vector.multi_reduction <add>, %get3A_12, %reduce_sum3A_13 [1] : vector<512x26xf32> to vector<512xf32>
    %broadcast_in_dim3A_15 = vector.shape_cast %reduce_sum3A_14 : vector<512xf32> to vector<512x1xf32>
    %get3A_16 = arith.constant 0 : index
    %get3A_17 = arith.constant 0 : index
    %get3A_18 = vector.load %arg4[%get3A_16, %get3A_17] : memref<832x300xf32, #tpu.memory_space<vmem>>, vector<832x300xf32>
    %dot_general3A_19 = arith.constant dense<0.000000e+00> : vector<512x300xf32>
    %dot_general3A_20 = tpu.matmul %get3A_1, %get3A_18, %dot_general3A_19 {dimension_numbers = #tpu.dot_dimension_numbers<[1], [0], [0], [1], [0, 0, 1, 1], [], []>, transpose_lhs_hint = false} : vector<512x832xf32>, vector<832x300xf32>, vector<512x300xf32> -> vector<512x300xf32>
    %get3A_21 = arith.constant 0 : index
    %get3A_22 = arith.constant 0 : index
    %get3A_23 = vector.load %arg5[%get3A_21, %get3A_22] : memref<1x300xf32, #tpu.memory_space<vmem>>, vector<1x300xf32>
    %add3A = vector.broadcast %get3A_23 : vector<1x300xf32> to vector<512x300xf32>
    %add3A_24 = arith.addf %dot_general3A_20, %add3A : vector<512x300xf32>
    %max3A = arith.constant 0.000000e+00 : f32
    %max3A_25 = vector.broadcast %max3A : f32 to vector<512x300xf32>
    %max3A_26 = arith.maximumf %add3A_24, %max3A_25 : vector<512x300xf32>
    %get3A_27 = arith.constant 0 : index
    %get3A_28 = arith.constant 0 : index
    %get3A_29 = vector.load %arg6[%get3A_27, %get3A_28] : memref<300x300xf32, #tpu.memory_space<vmem>>, vector<300x300xf32>
    %dot_general3A_30 = arith.constant dense<0.000000e+00> : vector<512x300xf32>
    %dot_general3A_31 = tpu.matmul %max3A_26, %get3A_29, %dot_general3A_30 {dimension_numbers = #tpu.dot_dimension_numbers<[1], [0], [0], [1], [0, 0, 1, 1], [], []>, transpose_lhs_hint = false} : vector<512x300xf32>, vector<300x300xf32>, vector<512x300xf32> -> vector<512x300xf32>
    %get3A_32 = arith.constant 0 : index
    %get3A_33 = arith.constant 0 : index
    %get3A_34 = vector.load %arg7[%get3A_32, %get3A_33] : memref<1x300xf32, #tpu.memory_space<vmem>>, vector<1x300xf32>
    %add3A_35 = vector.broadcast %get3A_34 : vector<1x300xf32> to vector<512x300xf32>
    %add3A_36 = arith.addf %dot_general3A_31, %add3A_35 : vector<512x300xf32>
    %max3A_37 = arith.constant 0.000000e+00 : f32
    %max3A_38 = vector.broadcast %max3A_37 : f32 to vector<512x300xf32>
    %max3A_39 = arith.maximumf %add3A_36, %max3A_38 : vector<512x300xf32>
    %get3A_40 = arith.constant 0 : index
    %get3A_41 = arith.constant 0 : index
    %get3A_42 = vector.load %arg8[%get3A_40, %get3A_41] : memref<300x300xf32, #tpu.memory_space<vmem>>, vector<300x300xf32>
    %dot_general3A_43 = arith.constant dense<0.000000e+00> : vector<512x300xf32>
    %dot_general3A_44 = tpu.matmul %max3A_39, %get3A_42, %dot_general3A_43 {dimension_numbers = #tpu.dot_dimension_numbers<[1], [0], [0], [1], [0, 0, 1, 1], [], []>, transpose_lhs_hint = false} : vector<512x300xf32>, vector<300x300xf32>, vector<512x300xf32> -> vector<512x300xf32>
    %get3A_45 = arith.constant 0 : index
    %get3A_46 = arith.constant 0 : index
    %get3A_47 = vector.load %arg9[%get3A_45, %get3A_46] : memref<1x300xf32, #tpu.memory_space<vmem>>, vector<1x300xf32>
    %add3A_48 = vector.broadcast %get3A_47 : vector<1x300xf32> to vector<512x300xf32>
    %add3A_49 = arith.addf %dot_general3A_44, %add3A_48 : vector<512x300xf32>
    %max3A_50 = arith.constant 0.000000e+00 : f32
    %max3A_51 = vector.broadcast %max3A_50 : f32 to vector<512x300xf32>
    %max3A_52 = arith.maximumf %add3A_49, %max3A_51 : vector<512x300xf32>
    %get3A_53 = arith.constant 0 : index
    %get3A_54 = arith.constant 0 : index
    %get3A_55 = vector.load %arg10[%get3A_53, %get3A_54] : memref<300x1xf32, #tpu.memory_space<vmem>>, vector<300x1xf32>
    %dot_general3A_56 = arith.constant dense<0.000000e+00> : vector<512x1xf32>
    %dot_general3A_57 = tpu.matmul %max3A_52, %get3A_55, %dot_general3A_56 {dimension_numbers = #tpu.dot_dimension_numbers<[1], [0], [0], [1], [0, 0, 1, 1], [], []>, transpose_lhs_hint = false} : vector<512x300xf32>, vector<300x1xf32>, vector<512x1xf32> -> vector<512x1xf32>
    %get3A_58 = arith.constant 0 : index
    %get3A_59 = arith.constant 0 : index
    %get3A_60 = vector.load %arg11[%get3A_58, %get3A_59] : memref<1x1xf32, #tpu.memory_space<vmem>>, vector<1x1xf32>
    %add3A_61 = vector.broadcast %get3A_60 : vector<1x1xf32> to vector<512x1xf32>
    %add3A_62 = arith.addf %dot_general3A_57, %add3A_61 : vector<512x1xf32>
    %mul3A_63 = arith.constant 5.000000e-01 : f32
    %mul3A_64 = vector.broadcast %mul3A_63 : f32 to vector<512x1xf32>
    %mul3A_65 = arith.mulf %mul3A_64, %broadcast_in_dim3A : vector<512x1xf32>
    %add3A_66 = arith.addf %broadcast_in_dim3A_15, %mul3A_65 : vector<512x1xf32>
    %add3A_67 = arith.addf %add3A_66, %add3A_62 : vector<512x1xf32>
    %logistic3A = arith.negf %add3A_67 : vector<512x1xf32>
    %logistic3A_68 = math.exp %logistic3A : vector<512x1xf32>
    %logistic3A_69 = arith.constant 1.000000e+00 : f32
    %logistic3A_70 = vector.broadcast %logistic3A_69 : f32 to vector<512x1xf32>
    %logistic3A_71 = arith.addf %logistic3A_70, %logistic3A_68 : vector<512x1xf32>
    %logistic3A_72 = arith.divf %logistic3A_70, %logistic3A_71 : vector<512x1xf32>
    %swap3A = arith.constant 0 : index
    %swap3A_73 = arith.constant 0 : index
    %swap3A_74 = vector.load %arg12[%swap3A, %swap3A_73] : memref<512x1xf32, #tpu.memory_space<vmem>>, vector<512x1xf32>
    tpu.vector_store %arg12[%swap3A, %swap3A_73], %logistic3A_72 {strides = array<i32>} : memref<512x1xf32, #tpu.memory_space<vmem>>, vector<512x1xf32>,
    return
  }
  func.func @transform_0(%arg0: i32) -> (i32, i32) {
    %c0_i32 = arith.constant 0 : i32
    %c0_i32_0 = arith.constant 0 : i32
    return %arg0, %c0_i32 : i32, i32
  }
  func.func @transform_1(%arg0: i32) -> (i32, i32) {
    %c0_i32 = arith.constant 0 : i32
    %c0_i32_0 = arith.constant 0 : i32
    return %arg0, %c0_i32 : i32, i32
  }
  func.func @transform_2(%arg0: i32) -> (i32, i32) {
    %c0_i32 = arith.constant 0 : i32
    %c0_i32_0 = arith.constant 0 : i32
    %c0_i32_1 = arith.constant 0 : i32
    return %c0_i32, %c0_i32_0 : i32, i32
  }
  func.func @transform_3(%arg0: i32) -> (i32, i32) {
    %c0_i32 = arith.constant 0 : i32
    %c0_i32_0 = arith.constant 0 : i32
    %c0_i32_1 = arith.constant 0 : i32
    return %c0_i32, %c0_i32_0 : i32, i32
  }
  func.func @transform_4(%arg0: i32) -> (i32, i32) {
    %c0_i32 = arith.constant 0 : i32
    %c0_i32_0 = arith.constant 0 : i32
    %c0_i32_1 = arith.constant 0 : i32
    return %c0_i32, %c0_i32_0 : i32, i32
  }
  func.func @transform_5(%arg0: i32) -> (i32, i32) {
    %c0_i32 = arith.constant 0 : i32
    %c0_i32_0 = arith.constant 0 : i32
    %c0_i32_1 = arith.constant 0 : i32
    return %c0_i32, %c0_i32_0 : i32, i32
  }
  func.func @transform_6(%arg0: i32) -> (i32, i32) {
    %c0_i32 = arith.constant 0 : i32
    %c0_i32_0 = arith.constant 0 : i32
    %c0_i32_1 = arith.constant 0 : i32
    return %c0_i32, %c0_i32_0 : i32, i32
  }
  func.func @transform_7(%arg0: i32) -> (i32, i32) {
    %c0_i32 = arith.constant 0 : i32
    %c0_i32_0 = arith.constant 0 : i32
    %c0_i32_1 = arith.constant 0 : i32
    return %c0_i32, %c0_i32_0 : i32, i32
  }
  func.func @transform_8(%arg0: i32) -> (i32, i32) {
    %c0_i32 = arith.constant 0 : i32
    %c0_i32_0 = arith.constant 0 : i32
    %c0_i32_1 = arith.constant 0 : i32
    return %c0_i32, %c0_i32_0 : i32, i32
  }
  func.func @transform_9(%arg0: i32) -> (i32, i32) {
    %c0_i32 = arith.constant 0 : i32
    %c0_i32_0 = arith.constant 0 : i32
    %c0_i32_1 = arith.constant 0 : i32
    return %c0_i32, %c0_i32_0 : i32, i32
  }
  func.func @transform_10(%arg0: i32) -> (i32, i32) {
    %c0_i32 = arith.constant 0 : i32
    %c0_i32_0 = arith.constant 0 : i32
    %c0_i32_1 = arith.constant 0 : i32
    return %c0_i32, %c0_i32_0 : i32, i32
  }
  func.func @transform_11(%arg0: i32) -> (i32, i32) {
    %c0_i32 = arith.constant 0 : i32
    %c0_i32_0 = arith.constant 0 : i32
    return %arg0, %c0_i32 : i32, i32
  }
}

</mosaic_0001>

<sc_bundles>
// kernel: kernel.4.cloned.1.call-start
scs
__scs_entry_jumppad:
0x0: {  	(pc) =	sbr.rel $0x88, $3  }
0x1: {  	(tag) =	ssettag $0x0;
	lr =	simm.s32 $0x1  }
0x2: {  	[smem:$0x3F96] =	sst lr;
	_ =	strace $0xD0000000  }
0x3: {  	_ = 	snop  }
0x4: {  	_ = 	snop  }
0x5: {  	_ = 	snop  }
0x6: {  	_ = 	snop  }
0x7: {  	_ = 	snop  }
__scs_overlays_trampoline_lowered:
0x8: {  	[smem:$0x3FA5] =	sst s0  }
0x9: {  	[smem:$0x3FA6] =	sst s1  }
0xa: {  	[smem:$0x3FA7] =	sst s2  }
0xb: {  	[smem:$0x3FA8] =	sst s3  }
0xc: {  	[smem:$0x3FA9] =	sst s4  }
0xd: {  	[smem:$0x3FAA] =	sst s5  }
0xe: {  	[smem:$0x3FAB] =	sst s6  }
0xf: {  	[smem:$0x3FAC] =	sst s7  }
0x10: {  	[smem:$0x3FAD] =	sst s8  }
0x11: {  	[smem:$0x3FAE] =	sst s9;
	s0 =	simm.s32 @!p0 $0x0  }
0x12: {  	s1 =	sld [smem:$0x3F94];
	s0 =	simm.s32 @p0 $0x1  }
0x13: {  	[smem:$0x3FAF] =	sst s0;
	s0 =	simm.s32 @!p1 $0x0  }
0x14: {  	s2 =	sld [smem:$0x3F93];
	s0 =	simm.s32 @p1 $0x1  }
0x15: {  	[smem:$0x3FB0] =	sst s0;
	s0 =	simm.s32 @!p2 $0x0  }
0x16: {  	s3 =	sld [smem:$0x3FDB];
	s0 =	simm.s32 @p2 $0x1  }
0x17: {  	s4 =	simm.s32 $0x1BF5;
	[smem:$0x3FB2] =	sst s0  }
0x18: {  	s0 =	sld [smem:$0x3F95];
	_ =	swait.ge [sflag:s4], $0x0  }
0x19: {  	s7 =	sld [smem:$0x3F96]  }
0x1a: {  	s8 =	sadd.s32 $0xFFFFE003, lr  }
0x1b: {  	s9 =	sadd.s32 $0xFFFFFEF7, lr;
	s5 =	simm.s32 $0xFFFFFFFF;
	p2 =	slt.u32 s8, $0xFFFFF086  }
0x1c: {  	p1 =	slt.u32 s9, $0xF7A;
	s5 =	simm.s32 @!p2 $0x0  }
0x1d: {  	s5 =	simm.s32 @p1 $0x1;
	p0 =	seq.s32 s7, s2  }
0x1e: {  	s7 =	smul.u32 @!p0 $0xF7A, s2;
	p2 =	seq.s32 @!p0 s5, $0x0  }
0x1f: {  	s9 =	smul.u32 $0xF7A, s1;
	s8 =	simm.s32 @!p0 $0x1BF5;
	p2 =	por !p2, p0  }
0x20: {  	[sflag:s8] =	ssyncset.s32 @!p0 $0xFFFFF086;
	s6 =	sadd.s32 @!p0 s3, s7;
	s7 =	simm.s32 @!p0 $0x108  }
0x21: {  	s3 =	sadd.s32 s3, s9;
	s6 =	sadd.s32 @!p0 $0x88, s6;
	s7 =	simm.s32 @p2 $0x1082  }
0x22: {  	[simem:s7], [sflag:s8] =	dma.local @!p0 [hbm:s6], $0xF7A  }
0x23: {  	s9 =	sor.u32 $0xD0000000, s2;
	s6 =	simm.s32 $0x108;
	_ =	swait.ge @!p0 [sflag:s8], $0x0  }
0x24: {  	s3 =	sadd.s32 $0x88, s3;
	s6 =	simm.s32 @!p1 $0x1082;
	[sflag:s4] =	ssyncset.s32 $0xFFFFF086  }
0x25: {  	[simem:s6], [sflag:s4] =	dma.local [hbm:s3], $0xF7A  }
0x26: {  	[smem:$0x3F96] =	sst s1;
	(tag) =	ssettag s2;
	_ =	strace s9  }
0x27: {  	s1 =	sld [smem:$0x3FA6]  }
0x28: {  	s2 =	sld [smem:$0x3FA7]  }
0x29: {  	s4 =	sld [smem:$0x3FA9]  }
0x2a: {  	p0 =	seq.s32 s5, $0x0;
	s5 =	sld [smem:$0x3FAA]  }
0x2b: {  	s6 =	sld [smem:$0x3FAB]  }
0x2c: {  	s7 =	sld [smem:$0x3FAC]  }
0x2d: {  	s3 =	simm.s32 $0x108;
	s8 =	sld [smem:$0x3FAD]  }
0x2e: {  	s3 =	simm.s32 @!p0 $0x1082;
	s9 =	sld [smem:$0x3FAE]  }
0x2f: {  	lr =	sadd.s32 s0, s3;
	s0 =	sld [smem:$0x3FA5]  }
0x30: {  	s3 =	sld [smem:$0x3FA8]  }
0x31: {  	[smem:$0x3FB1] =	sst s10  }
0x32: {  	s10 =	sld [smem:$0x3FAF];
	_ =	sdelay $0x3  }
0x33: {  	p0 =	seq.s32 s10, $0x1;
	s10 =	sld [smem:$0x3FB1];
	_ =	sdelay $0x3  }
0x34: {  	[smem:$0x3FB1] =	sst s10  }
0x35: {  	s10 =	sld [smem:$0x3FB0];
	_ =	sdelay $0x3  }
0x36: {  	p1 =	seq.s32 s10, $0x1;
	s10 =	sld [smem:$0x3FB1];
	_ =	sdelay $0x3  }
0x37: {  	[smem:$0x3FB1] =	sst s10  }
0x38: {  	s10 =	sld [smem:$0x3FB2]  }
0x39: {  	_ = 	snop;
	(pc) =	sbr.ind lr, $3  }
0x3a: {  	_ = 	snop  }
0x3b: {  	_ = 	snop  }
0x3c: {  	p2 =	seq.s32 s10, $0x1;
	s10 =	sld [smem:$0x3FB1]  }
0x3d: {  	_ =	shalt  }
0x3e: {  	_ =	shalt  }
0x3f: {  	_ =	shalt  }
0x40: {  	_ =	shalt  }
0x41: {  	_ =	shalt  }
0x42: {  	_ =	shalt  }
0x43: {  	_ =	shalt  }
0x44: {  	_ =	shalt  }
0x45: {  	_ =	shalt  }
0x46: {  	_ =	shalt  }
0x47: {  	_ =	shalt  }
0x48: {  	_ =	shalt  }
0x49: {  	_ =	shalt  }
0x4a: {  	_ =	shalt  }
0x4b: {  	_ =	shalt  }
0x4c: {  	_ =	shalt  }
0x4d: {  	_ =	shalt  }
0x4e: {  	_ =	shalt  }
0x4f: {  	_ =	shalt  }
0x50: {  	_ =	shalt  }
0x51: {  	_ =	shalt  }
0x52: {  	_ =	shalt  }
0x53: {  	_ =	shalt  }
0x54: {  	_ =	shalt  }
0x55: {  	_ =	shalt  }
0x56: {  	_ =	shalt  }
0x57: {  	_ =	shalt  }
0x58: {  	_ =	shalt  }
0x59: {  	_ =	shalt  }
0x5a: {  	_ =	shalt  }
0x5b: {  	_ =	shalt  }
0x5c: {  	_ =	shalt  }
0x5d: {  	_ =	shalt  }
0x5e: {  	_ =	shalt  }
0x5f: {  	_ =	shalt  }
0x60: {  	_ =	shalt  }
0x61: {  	_ =	shalt  }
0x62: {  	_ =	shalt  }
0x63: {  	_ =	shalt  }
0x64: {  	_ =	shalt  }
0x65: {  	_ =	shalt  }
0x66: {  	_ =	shalt  }
0x67: {  	_ =	shalt  }
0x68: {  	_ =	shalt  }
0x69: {  	_ =	shalt  }
0x6a: {  	_ =	shalt  }
0x6b: {  	_ =	shalt  }
0x6c: {  	_ =	shalt  }
0x6d: {  	_ =	shalt  }
0x6e: {  	_ =	shalt  }
0x6f: {  	_ =	shalt  }
0x70: {  	_ =	shalt  }
0x71: {  	_ =	shalt  }
0x72: {  	_ =	shalt  }
0x73: {  	_ =	shalt  }
0x74: {  	_ =	shalt  }
0x75: {  	_ =	shalt  }
0x76: {  	_ =	shalt  }
0x77: {  	_ =	shalt  }
0x78: {  	_ =	shalt  }
0x79: {  	_ =	shalt  }
0x7a: {  	_ =	shalt  }
0x7b: {  	_ =	shalt  }
0x7c: {  	_ =	shalt  }
0x7d: {  	_ =	shalt  }
0x7e: {  	_ =	shalt  }
0x7f: {  	_ =	shalt  }
0x80: {  	_ =	shalt  }
0x81: {  	_ =	shalt  }
0x82: {  	_ =	shalt  }
0x83: {  	_ =	shalt  }
0x84: {  	_ =	shalt  }
0x85: {  	_ =	shalt  }
0x86: {  	_ =	shalt  }
0x87: {  	_ =	shalt  }
.Lfunc_end0:
.L_simem_size_0:
called_computation_lowered:
.L_overlay_start_0:
0x88: {  	s2 =	sld [smem:$0x3FD9]  }
0x89: {  	s3 =	sld [smem:$0x3FFE];
	_ =	sdelay $0x1  }
0x8a: {  	s1 =	srdreg.scid  }
0x8b: {  	s0 =	sand.u32 $0x1, s1  }
0x8c: {  	s16 =	sshll.u32 s0, $0xA;
	s2 =	sadd.s32 s3, s2  }
0x8d: {  	s2 =	sadd.s32 s2, s16  }
0x8e: {  	[smem:$0x3FBD] =	sst s2  }
0x8f: {  	_ = 	snop  }
0x90: {  	(tm) =	ssettm $0x1  }
0x91: {  	s17 =	sld [smem:$0x3FFB];
	_ =	sdelay $0x3  }
0x92: {  	_ =	strace s17  }
0x93: {  	s2 =	sld [smem:$0x3FFC];
	_ =	sdelay $0x3  }
0x94: {  	_ =	strace s2  }
0x95: {  	s2 =	sld [smem:$0x3FFD];
	_ =	sdelay $0x3  }
0x96: {  	_ =	strace s2  }
0x97: {  	_ =	strace $0x8FFFFFFF  }
0x98: {  	s18 =	sld [smem:$0x3FDB];
	_ =	sdelay $0x1  }
0x99: {  	s19 =	simm.s32 $_scs_section_size  }
0x9a: {  	s4 =	simm.s32 $_size__tile_overlayer_lowered;
	s5 =	simm.s32 $_tile_overlayer_lowered  }
0x9b: {  	s22 =	simm.s32 $0x1BFF;
	s21 =	sshll.u32 s5, $0x1;
	s2 =	sadd.s32 s19, s18  }
0x9c: {  	s6 =	simm.s32 $0x0;
	s20 =	sshll.u32 s4, $0x1;
	s4 =	sadd.s32 s21, s2  }
0x9d: {  	[timem:s6], [sflag:s22] =	dma.local [hbm:s4], s20  }
0x9e: {  	_ =	swait.ge [sflag:s22], s20  }
0x9f: {  	s3 =	ssub.s32 $0x0, s20;
	[sflag:s22] =	ssyncset.done $0x0  }
0xa0: {  	[sflag:s22] =	ssyncadd.s32 s3;
	_ =	sdelay $0x1  }
0xa1: {  	s23 =	simm.s32 $0x1B8B  }
0xa2: {  	_ =	swait.ge [sflag:s23], $0x1  }
0xa3: {  	[sflag:s23] =	ssyncset.done $0x0  }
0xa4: {  	s25 =	simm.s32 $0x1B8E;
	s24 =	sld [smem:$0x3FFE];
	[sflag:s23] =	ssyncadd.s32 $0xFFFFFFFF  }
0xa5: {  	s26 =	simm.s32 $execute0_lowered;
	[smem:$0x3FD2] =	sst s25  }
0xa6: {  	s4 =	sshll.u32 s26, $0x1;
	_ =	strace $0x80000046;
	[dreg:$0x1] =	wrdreg $0xFFFFFFFF  }
0xa7: {  	s28 =	simm.s32 $_size_execute0_lowered;
	s2 =	sadd.s32 s2, s4;
	[dreg:$0x0] =	wrdreg $0x0  }
0xa8: {  	s4 =	sshll.u32 s28, $0x1;
	[dreg:$0x2] =	wrdreg s2  }
0xa9: {  	[dreg:$0x3] =	wrdreg s4  }
0xaa: {  	[dreg:$0x4] =	wrdreg $0xC0  }
0xab: {  	_ =	task [dreg:s6], $0x5FFFF  }
0xac: {  	[dreg:$0x1] =	wrdreg $0xFFFFFFFF  }
0xad: {  	[dreg:$0x0] =	wrdreg $0x60  }
0xae: {  	[dreg:$0x2] =	wrdreg s24  }
0xaf: {  	[dreg:$0x3] =	wrdreg $0x9  }
0xb0: {  	_ =	task.clear_ibuf [dreg:s6], $0x4FFFF;
	_ =	strace $0x90000046  }
0xb1: {  	s29 =	simm.s32 $0x9;
	_ =	strace $0x80000048  }
0xb2: {  	_ =	swait.ge [sflag:s29], $0x1  }
0xb3: {  	[sflag:s29] =	ssyncadd.s32 $0xFFFFFFFF  }
0xb4: {  	_ =	strace $0x90000048  }
0xb5: {  	_ =	sfence  }
0xb6: {  	s30 =	sld [smem:$0x0];
	_ =	sdelay $0x2  }
0xb7: {  	s31 =	sshll.u32 s1, $0xD;
	s1 =	sshrl.u32 s1, $0x2  }
0xb8: {  	s3 =	sand.u32 $0x4000, s31;
	s1 =	sadd.s32 s1, s30  }
0xb9: {  	s0 =	sor.u32 s3, s0;
	s1 =	sshll.u32 s1, $0x11  }
0xba: {  	s0 =	sor.u32 s1, s0  }
0xbb: {  	s0 =	sadd.s32 $0x8F2B, s0  }
0xbc: {  	[sflag:s0] =	ssyncadd.remote.s32 $0x1  }
0xbd: {  	_ =	sfence.sel $0xFFFF  }
0xbe: {  	[dreg:$0x0] =	wrdreg $0xFFFFFFFF;
	(pc) =	sbr.abs _section_cstart, $3  }
0xbf: {  	[dreg:$0x1] =	wrdreg $0xFFFFFFFF  }
0xc0: {  	_ =	task.clear_ibuf [dreg:s6], $0x2FFFF;
	_ =	strace $0x9FFFFFFF  }
0xc1: {  	(tm) =	ssettm $0x7FFFFFFF  }
tec
execute0_lowered:
.L_overlay_start_1:
0x0: {  	(tag) =	ssettag $0x1  }
0x1: {  	s1 =	srdreg.scid  }
0x2: {  	s0 =	stileid.u32;
	s5 =	rddreg [dreg:$0x0]  }
0x3: {  	s2 =	simm.s32 $0x0;
	s10 =	simm.s32 $0x80;
	s11 =	simm.s32 $0xD00  }
0x4: {  	s12 =	simm.s32 $0x1AD00;
	s6 =	sand.u32 $0x1, s1;
	s3 =	sshll.u32 s0, $0x1  }
0x5: {  	s13 =	simm.s32 $0x1;
	s14 =	simm.s32 $0x2;
	s3 =	sor.u32 s6, s3  }
0x6: {  	s15 =	simm.s32 $0x0;
	s1 =	rddreg [dreg:$0x1];
	s7 =	smul.u32 $0x3400, s3  }
0x7: {  	[smem:$0x7FF] =	sst s2;
	s4 =	sadd.s32 $0x4C00, s5;
	s8 =	smul.u32 $0x1A0, s3  }
0x8: {  	_ =	strace $0x80000047;
	s6 =	ssub.s32 $0x2, s6;
	s3 =	sadd.s32 $0xF43C00, s5  }
0x9: {  	s31 =	sshrl.u32 s6, $0x1;
	s7 =	sadd.s32 s7, s5;
	s8 =	sadd.s32 s8, s5  }
0xa: {  	s9 =	ssub.s32 s6, s31;
	s5 =	sadd.s32 $0x1800, s8;
	s6 =	sadd.s32 $0x23600, s7  }
0xb: {  	s7 =	sadd.s32 $0x8B600, s8;
	s8 =	smax.u32 s9, $0x1;
	s9 =	simm.s32 $0x3  }
.LBB2_1:
0xc: {  	[tilespmem:s2], [sflag:$0x3] =	stream.linear.gather [hbm4b:s5+s2], $0xD00, $0x38;
	[tilespmem:$0x1BA00] =	vst v63  }
0xd: {  	_ =	swait.ge [sflag:s9], $0xD00  }
0xe: {  	[sflag:s9] =	ssyncset.done $0x0  }
0xf: {  	[sflag:s9] =	ssyncadd.s32 $0xFFFFF300  }
0x10: {  	[tilespmem:s11], [sflag:$0x1] =	stream.indirect.gather [hbm4b:s3+s10], $0x20, s2, s10, $0xb8;
	[tilespmem:$0x1BA00] =	vst v63  }
0x11: {  	_ = 	snop  }
0x12: {  	[tilespmem:s12], [sflag:$0x2] =	stream.indirect.gather [hbm4b:s4+s10], $0x1, s2, s10, $0xb8;
	[tilespmem:$0x1BA00] =	vst v63  }
0x13: {  	s16 =	simm.s32 $0x1D00;
	s17 =	simm.s32 $0x80  }
0x14: {  	[tilespmem:s16], [sflag:$0x1] =	stream.indirect.gather [hbm4b:s3+s10], $0x20, s17, s10, $0xb8;
	[tilespmem:$0x1BA00] =	vst v63  }
0x15: {  	s31 =	simm.s32 $0x1AD80  }
0x16: {  	[tilespmem:s31], [sflag:$0x2] =	stream.indirect.gather [hbm4b:s4+s10], $0x1, s17, s10, $0xb8;
	[tilespmem:$0x1BA00] =	vst v63  }
0x17: {  	_ =	swait.ge [sflag:s13], $0x1000  }
0x18: {  	[sflag:s13] =	ssyncset.done $0x0  }
0x19: {  	[sflag:s13] =	ssyncadd.s32 $0xFFFFF000  }
0x1a: {  	s18 =	simm.s32 $0x600;
	_ =	swait.ge [sflag:s14], $0x80  }
0x1b: {  	s16 =	simm.s32 $0x400;
	s17 =	simm.s32 $0x2D00;
	[sflag:s14] =	ssyncset.done $0x0  }
.LBB2_2:
0x1c: {  	s19 =	sshra.s32 s16, $0x2  }
0x1d: {  	[sflag:s14] =	ssyncadd.s32 $0xFFFFFF80;
	s16 =	smov.u32 s18;
	s20 =	sadd.s32 $0x200, s18  }
0x1e: {  	[tilespmem:s17], [sflag:$0x1] =	stream.indirect.gather [hbm4b:s3+s10], $0x20, s19, s10, $0xb8;
	[tilespmem:$0x1BA00] =	vst v63  }
0x1f: {  	p0 =	sne.s32 s18, $0x3200;
	s18 =	sadd.s32 $0x1AD00, s19  }
0x20: {  	[tilespmem:s18], [sflag:$0x2] =	stream.indirect.gather [hbm4b:s4+s10], $0x1, s19, s10, $0xb8;
	[tilespmem:$0x1BA00] =	vst v63  }
.Ltmp0:
0x21: {  	_ =	swait.ge [sflag:s13], $0x1000;
	(pc) =	sbr.rel @p0 .LBB2_2-.Ltmp0, $4  }
0x22: {  	[sflag:s13] =	ssyncset.done $0x0  }
0x23: {  	[sflag:s13] =	ssyncadd.s32 $0xFFFFF000  }
0x24: {  	_ =	swait.ge [sflag:s14], $0x80  }
0x25: {  	s17 =	sadd.s32 $0x1000, s17;
	s18 =	smov.u32 s20;
	[sflag:s14] =	ssyncset.done $0x0  }
0x26: {  	s16 =	sshra.s32 s16, $0x2;
	[sflag:s14] =	ssyncadd.s32 $0xFFFFFF80  }
0x27: {  	[tilespmem:s17], [sflag:$0x1] =	stream.indirect.gather [hbm4b:s3+s10], $0x20, s16, s10, $0xb8;
	[tilespmem:$0x1BA00] =	vst v63  }
0x28: {  	s31 =	sadd.s32 $0x1AD00, s16  }
0x29: {  	[tilespmem:s31], [sflag:$0x2] =	stream.indirect.gather [hbm4b:s4+s10], $0x1, s16, s10, $0xb8;
	[tilespmem:$0x1BA00] =	vst v63  }
0x2a: {  	_ =	swait.ge [sflag:s13], $0x1000  }
0x2b: {  	[sflag:s13] =	ssyncset.done $0x0  }
0x2c: {  	[sflag:s13] =	ssyncadd.s32 $0xFFFFF000  }
0x2d: {  	_ =	swait.ge [sflag:s14], $0x80  }
0x2e: {  	[sflag:s14] =	ssyncset.done $0x0  }
0x2f: {  	[sflag:s14] =	ssyncadd.s32 $0xFFFFFF80  }
0x30: {  	_ =	swait.ge [sflag:s13], $0x1000  }
0x31: {  	[sflag:s13] =	ssyncset.done $0x0  }
0x32: {  	[sflag:s13] =	ssyncadd.s32 $0xFFFFF000  }
0x33: {  	_ =	swait.ge [sflag:s14], $0x80  }
0x34: {  	[sflag:s14] =	ssyncset.done $0x0  }
0x35: {  	[sflag:s14] =	ssyncadd.s32 $0xFFFFFF80  }
0x36: {  	[hbm4b:s6+s2] =	stream.linear.scatter [tilespmem:s11], [sflag:$0x3], $0x1A000, $0x38;
	[tilespmem:$0x1BA00] =	vst v63  }
0x37: {  	s15 =	sadd.s32 $0x1, s15;
	_ =	swait.ge [sflag:s9], $0x1A000  }
0x38: {  	p0 =	sne.s32 s15, s8;
	[sflag:s9] =	ssyncset.done $0x0  }
.Ltmp1:
0x39: {  	[sflag:s9] =	ssyncadd.s32 $0xFFFE6000;
	(pc) =	sbr.rel @p0 .LBB2_1-.Ltmp1, $4  }
0x3a: {  	[hbm4b:s7+s2] =	stream.linear.scatter [tilespmem:s12], [sflag:$0x3], $0xD00, $0x38;
	[tilespmem:$0x1BA00] =	vst v63  }
0x3b: {  	_ =	swait.ge [sflag:s9], $0xD00  }
0x3c: {  	[sflag:s9] =	ssyncset.done $0x0  }
0x3d: {  	[sflag:s9] =	ssyncadd.s32 $0xFFFFF300  }
0x3e: {  	_ =	sfence.sel $0x180000  }
0x3f: {  	[bflag:$0x0] =	sbarrier.arrive $0xFFFF  }
0x40: {  	p0 =	sne.s32 s0, $0x0;
	_ =	strace $0x90000047  }
0x41: {  	s0 =	sadd.s32 @!p0 $0x100000, s1;
	[bflag:$0x2] =	sbarrier.arrive $0xFFFF  }
0x42: {  	[sflag:s0] =	ssyncadd.tile.s32 @!p0 $0x1;
	_ =	shalt  }
.Lfunc_end2:
_tile_overlayer_lowered:
.L_overlay_start_2:
0x43: {  	(tag) =	ssettag $0x2  }
0x44: {  	s0 =	rddreg [dreg:$0x0];
	s2 =	stileid.u32  }
0x45: {  	s1 =	rddreg [dreg:$0x1];
	p0 =	sne.s32 s2, $0x0  }
0x46: {  	s3 =	rddreg [dreg:$0x2];
	[bflag:$0x3] =	sbarrier.arrive $0xFFFF;
	s2 =	simm.s32 @!p0 $0x1C03  }
0x47: {  	[timem:s3], [sflag:s2] =	dma.local @!p0 [hbm:s0], s1  }
0x48: {  	s0 =	simm.s32 @!p0 $0x3  }
0x49: {  	_ =	swait.ge @!p0 [sflag:s0], s1  }
0x4a: {  	s1 =	ssub.s32 @!p0 $0x0, s1;
	[sflag:s0] =	ssyncset.done @!p0 $0x0  }
0x4b: {  	[sflag:s0] =	ssyncadd.s32 @!p0 s1  }
0x4c: {  	[bflag:$0x3] =	sbarrier.arrive $0xFFFF  }
0x4d: {  	_ =	shalt  }

</sc_bundles>
